<compile_context>
chip_gen: v7x
topology: tpu7x:2x2x1
jax: 0.10.2.dev20260603
libtpu: 0.0.44.dev20260713+nightly
codegen_flags: <defaults>
</compile_context>

<pallas_src>
import jax
import jax.numpy as jnp
from jax import lax
from jax.experimental import pallas as pl
from jax.experimental.pallas import tpu as pltpu

_B, _M, _C = 2, 4096, 16
_W = _C + _M
_BR = 256
_BLOCKS_PER_BATCH = _M // _BR
_NBLK = _B * _BLOCKS_PER_BATCH


def _loss_kernel(scores_ref, cidpad_ref, cidrow_ref, len_ref, tgt_ref,
                 diag_ref, out_ref):
    i = pl.program_id(0)

    s = scores_ref[0]
    rowmax = jnp.max(s, axis=1, keepdims=True)
    e = jnp.exp(s - rowmax)
    sum_full = jnp.sum(e, axis=1)

    cidp = cidpad_ref[0]
    cidr = cidrow_ref[0]
    d = cidp == cidr
    gsum_incl = jnp.sum(jnp.where(d, e, 0.0), axis=1)

    lens = len_ref[0]
    e_lin = e[:, :_C]
    linmask = (lax.broadcasted_iota(jnp.int32, (_BR, _C), 1)
               < lens).astype(jnp.float32)
    lin_w = tgt_ref[0].astype(jnp.float32) * linmask
    sum_all = sum_full - jnp.sum((1.0 - linmask) * e_lin, axis=1)
    gsum_lin = jnp.sum(lin_w * e_lin, axis=1)
    cnt_lin = jnp.sum(lin_w, axis=1)

    e_self = jnp.exp(diag_ref[0][:, 0] - rowmax[:, 0])

    gsum_nonself = gsum_incl - e_self
    sum_gold = jnp.where((gsum_nonself == 0.0) & (cnt_lin == 0.0),
                         e_self, gsum_lin + gsum_nonself)
    contrib = jnp.sum(jnp.log(sum_all) - jnp.log(sum_gold))

    @pl.when(i == 0)
    def _():
        out_ref[0, 0] = 0.0

    out_ref[0, 0] += contrib


@jax.jit
def kernel(scores, linker_targets, candidate_lengths, cluster_ids):
    len3 = candidate_lengths.reshape(_NBLK, _BR, 1)
    cid3 = cluster_ids.reshape(_NBLK, _BR, 1)
    m_idx = jnp.arange(_M, dtype=jnp.int32)[None, :, None] + _C
    diag3 = jnp.take_along_axis(scores, m_idx, axis=2).reshape(_NBLK, _BR, 1)
    cidpad = jnp.concatenate(
        [jnp.full((_B, _C), -1, jnp.int32), cluster_ids],
        axis=1).reshape(_B, 1, _W)

    bpb = _BLOCKS_PER_BATCH
    out = pl.pallas_call(
        _loss_kernel,
        grid=(_NBLK,),
        in_specs=[
            pl.BlockSpec((1, _BR, _W), lambda i: (i // bpb, i % bpb, 0)),
            pl.BlockSpec((1, 1, _W), lambda i: (i // bpb, 0, 0)),
            pl.BlockSpec((1, _BR, 1), lambda i: (i, 0, 0)),
            pl.BlockSpec((1, _BR, 1), lambda i: (i, 0, 0)),
            pl.BlockSpec((1, _BR, _C), lambda i: (i // bpb, i % bpb, 0)),
            pl.BlockSpec((1, _BR, 1), lambda i: (i, 0, 0)),
        ],
        out_specs=pl.BlockSpec(memory_space=pltpu.SMEM),
        out_shape=jax.ShapeDtypeStruct((1, 1), jnp.float32),
        compiler_params=pltpu.CompilerParams(
            dimension_semantics=("arbitrary",)),
    )(scores, cidpad, cid3, len3, linker_targets, diag3)
    return out[0, 0]

# --- scband reference (transcript-rebuilt; emitter-appended) ---
"""Pipeline reference for scband-loss-coref-linker-esm-24790551232645 (READ-ONLY COPY).

The authoritative reference and input builder live on the scoring server;
editing this copy changes nothing except your own understanding.
"""

import jax, jax.numpy as jnp
import numpy as np

B, M, C = 2, 4096, 16
WEIGHT = 1.0


def setup_inputs(seed: int = 0) -> dict:
    key = jax.random.key(seed)
    k1, k2, k3, k4 = jax.random.split(key, 4)
    scores = jax.random.normal(k1, (B, M, C + M), dtype=jnp.float32)
    linker_targets = jax.random.randint(k2, (B, M, C), 0, 2, dtype=jnp.int32)
    candidate_lengths = jax.random.randint(k3, (B, M), 0, 17, dtype=jnp.int32)
    cluster_ids = jax.random.randint(k4, (B, M), 0, 512, dtype=jnp.int32)
    return {
        "scores": scores,
        "linker_targets": linker_targets,
        "candidate_lengths": candidate_lengths,
        "cluster_ids": cluster_ids,
    }


def reference(scores, linker_targets, candidate_lengths, cluster_ids):
    # create_candidate_mask: valid candidate slots per mention
    linker_mask = (jnp.arange(C)[None, None, :] < candidate_lengths[:, :, None]).astype(jnp.float32)
    linker_target = linker_targets.astype(jnp.float32) * linker_mask
    nr_candidate_links_per_mention = linker_target.sum(-1)
    # create_coreflinker_esm_target_forward (filter_singletons_with_matrix=False):
    # coref target = same gold cluster, excluding self; self-link if nothing found
    same_cluster = cluster_ids[:, :, None] == cluster_ids[:, None, :]
    eye = jnp.eye(M, dtype=bool)[None, :, :]
    coref_targets = jnp.where(same_cluster & (~eye), 1.0, 0.0).astype(jnp.float32)
    num_found = coref_targets.sum(-1) + nr_candidate_links_per_mention
    self_link = (num_found == 0).astype(jnp.float32)[:, :, None] * eye.astype(jnp.float32)
    coref_targets = coref_targets + self_link
    linkercoref_targets = jnp.concatenate([linker_target, coref_targets], axis=-1)
    # triangular_mask (per source: all-ones coref block concatenated to linker mask)
    ones_coref = jnp.ones((scores.shape[0], M, M), dtype=jnp.float32)
    triangular_mask = jnp.concatenate([linker_mask, ones_coref], axis=-1)
    constant = jax.lax.stop_gradient(jnp.max(scores)) + 100000.0
    additive_mask = (1.0 - triangular_mask) * (-constant)
    logits = scores + additive_mask
    lse_all = jax.nn.logsumexp(logits, axis=-1)
    lse_gold = jax.nn.logsumexp(logits, axis=-1, b=linkercoref_targets)
    loss = WEIGHT * jnp.sum(lse_all - lse_gold)
    return loss

if __name__ == "__main__":
    import jax
    _d = setup_inputs()
    print(jax.jit(kernel)(*tuple(_d.values())))

</pallas_src>

<mosaic_0001>
module attributes {stable_mosaic.version = 14 : i64} {
  func.func @_loss_kernel(%arg0: i32, %arg1: memref<1x256x4112xf32, #tpu.memory_space<vmem>>, %arg2: memref<1x1x4112xi32, #tpu.memory_space<vmem>>, %arg3: memref<1x256x1xi32, #tpu.memory_space<vmem>>, %arg4: memref<1x256x1xi32, #tpu.memory_space<vmem>>, %arg5: memref<1x256x16xi32, #tpu.memory_space<vmem>>, %arg6: memref<1x256x1xf32, #tpu.memory_space<vmem>>, %arg7: memref<1x1xf32, #tpu.memory_space<smem>>) attributes {dimension_semantics = [#tpu.dimension_semantics<arbitrary>], iteration_bounds = array<i64: 32>, scalar_prefetch = 0 : i64, scratch_operands = 0 : i64, tpu.core_type = #tpu.core_type<tc>, window_params = [{transform_indices = @transform_0, window_bounds = array<i64: 1, 256, 4112>}, {transform_indices = @transform_1, window_bounds = array<i64: 1, 1, 4112>}, {transform_indices = @transform_2, window_bounds = array<i64: 1, 256, 1>}, {transform_indices = @transform_3, window_bounds = array<i64: 1, 256, 1>}, {transform_indices = @transform_4, window_bounds = array<i64: 1, 256, 16>}, {transform_indices = @transform_5, window_bounds = array<i64: 1, 256, 1>}, {transform_indices = @transform_6, window_bounds = array<i64: 1, 1>}]} {
    %get3A = arith.constant 0 : index
    %get3A_0 = arith.constant 0 : index
    %get3A_1 = arith.constant 0 : index
    %get3A_2 = vector.load %arg1[%get3A, %get3A_0, %get3A_1] : memref<1x256x4112xf32, #tpu.memory_space<vmem>>, vector<1x256x4112xf32>
    %get3A_3 = vector.shape_cast %get3A_2 : vector<1x256x4112xf32> to vector<256x4112xf32>
    %reduce_max3A = arith.constant dense<0xFF800000> : vector<256xf32>
    %reduce_max3A_4 = vector.multi_reduction <maximumf>, %get3A_3, %reduce_max3A [1] : vector<256x4112xf32> to vector<256xf32>
    %broadcast_in_dim3A = vector.shape_cast %reduce_max3A_4 : vector<256xf32> to vector<256x1xf32>
    %sub3A = vector.broadcast %broadcast_in_dim3A : vector<256x1xf32> to vector<256x4112xf32>
    %sub3A_5 = arith.subf %get3A_3, %sub3A : vector<256x4112xf32>
    %exp3A = math.exp %sub3A_5 : vector<256x4112xf32>
    %reduce_sum3A = arith.constant dense<0.000000e+00> : vector<256xf32>
    %reduce_sum3A_6 = vector.multi_reduction <add>, %exp3A, %reduce_sum3A [1] : vector<256x4112xf32> to vector<256xf32>
    %get3A_7 = arith.constant 0 : index
    %get3A_8 = arith.constant 0 : index
    %get3A_9 = arith.constant 0 : index
    %get3A_10 = vector.load %arg2[%get3A_7, %get3A_8, %get3A_9] : memref<1x1x4112xi32, #tpu.memory_space<vmem>>, vector<1x1x4112xi32>
    %get3A_11 = vector.shape_cast %get3A_10 : vector<1x1x4112xi32> to vector<1x4112xi32>
    %get3A_12 = arith.constant 0 : index
    %get3A_13 = arith.constant 0 : index
    %get3A_14 = arith.constant 0 : index
    %get3A_15 = vector.load %arg3[%get3A_12, %get3A_13, %get3A_14] : memref<1x256x1xi32, #tpu.memory_space<vmem>>, vector<1x256x1xi32>
    %get3A_16 = vector.shape_cast %get3A_15 : vector<1x256x1xi32> to vector<256x1xi32>
    %eq3A = vector.broadcast %get3A_11 : vector<1x4112xi32> to vector<256x4112xi32>
    %eq3A_17 = vector.broadcast %get3A_16 : vector<256x1xi32> to vector<256x4112xi32>
    %eq3A_18 = arith.cmpi eq, %eq3A, %eq3A_17 : vector<256x4112xi32>
    %jit3A = arith.constant 0.000000e+00 : f32
    %broadcast_in_dim3A_19 = vector.broadcast %jit3A : f32 to vector<256x4112xf32>
    %select_n3A = arith.select %eq3A_18, %exp3A, %broadcast_in_dim3A_19 : vector<256x4112xi1>, vector<256x4112xf32>
    %reduce_sum3A_20 = arith.constant dense<0.000000e+00> : vector<256xf32>
    %reduce_sum3A_21 = vector.multi_reduction <add>, %select_n3A, %reduce_sum3A_20 [1] : vector<256x4112xf32> to vector<256xf32>
    %get3A_22 = arith.constant 0 : index
    %get3A_23 = arith.constant 0 : index
    %get3A_24 = arith.constant 0 : index
    %get3A_25 = vector.load %arg4[%get3A_22, %get3A_23, %get3A_24] : memref<1x256x1xi32, #tpu.memory_space<vmem>>, vector<1x256x1xi32>
    %get3A_26 = vector.shape_cast %get3A_25 : vector<1x256x1xi32> to vector<256x1xi32>
    %slice3A = vector.extract_strided_slice %exp3A {offsets = [0, 0], sizes = [256, 16], strides = [1, 1]} : vector<256x4112xf32> to vector<256x16xf32>
    %iota3A = tpu.iota {dimensions = array<i32: 1>} : vector<256x16xi32>
    %lt3A = vector.broadcast %get3A_26 : vector<256x1xi32> to vector<256x16xi32>
    %lt3A_27 = arith.cmpi slt, %iota3A, %lt3A : vector<256x16xi32>
    %convert_element_type3A = arith.extui %lt3A_27 : vector<256x16xi1> to vector<256x16xi32>
    %convert_element_type3A_28 = arith.sitofp %convert_element_type3A : vector<256x16xi32> to vector<256x16xf32>
    %get3A_29 = arith.constant 0 : index
    %get3A_30 = arith.constant 0 : index
    %get3A_31 = arith.constant 0 : index
    %get3A_32 = vector.load %arg5[%get3A_29, %get3A_30, %get3A_31] : memref<1x256x16xi32, #tpu.memory_space<vmem>>, vector<1x256x16xi32>
    %get3A_33 = vector.shape_cast %get3A_32 : vector<1x256x16xi32> to vector<256x16xi32>
    %convert_element_type3A_34 = arith.sitofp %get3A_33 : vector<256x16xi32> to vector<256x16xf32>
    %mul3A = arith.mulf %convert_element_type3A_34, %convert_element_type3A_28 : vector<256x16xf32>
    %sub3A_35 = arith.constant 1.000000e+00 : f32
    %sub3A_36 = vector.broadcast %sub3A_35 : f32 to vector<256x16xf32>
    %sub3A_37 = arith.subf %sub3A_36, %convert_element_type3A_28 : vector<256x16xf32>
    %mul3A_38 = arith.mulf %sub3A_37, %slice3A : vector<256x16xf32>
    %reduce_sum3A_39 = arith.constant dense<0.000000e+00> : vector<256xf32>
    %reduce_sum3A_40 = vector.multi_reduction <add>, %mul3A_38, %reduce_sum3A_39 [1] : vector<256x16xf32> to vector<256xf32>
    %sub3A_41 = arith.subf %reduce_sum3A_6, %reduce_sum3A_40 : vector<256xf32>
    %mul3A_42 = arith.mulf %mul3A, %slice3A : vector<256x16xf32>
    %reduce_sum3A_43 = arith.constant dense<0.000000e+00> : vector<256xf32>
    %reduce_sum3A_44 = vector.multi_reduction <add>, %mul3A_42, %reduce_sum3A_43 [1] : vector<256x16xf32> to vector<256xf32>
    %reduce_sum3A_45 = arith.constant dense<0.000000e+00> : vector<256xf32>
    %reduce_sum3A_46 = vector.multi_reduction <add>, %mul3A, %reduce_sum3A_45 [1] : vector<256x16xf32> to vector<256xf32>
    %get3A_47 = arith.constant 0 : index
    %get3A_48 = arith.constant 0 : index
    %get3A_49 = arith.constant 0 : index
    %get3A_50 = vector.load %arg6[%get3A_47, %get3A_48, %get3A_49] : memref<1x256x1xf32, #tpu.memory_space<vmem>>, vector<1x256x1xf32>
    %get3A_51 = vector.shape_cast %get3A_50 : vector<1x256x1xf32> to vector<256x1xf32>
    %squeeze3A = vector.shape_cast %get3A_51 : vector<256x1xf32> to vector<256xf32>
    %squeeze3A_52 = vector.shape_cast %broadcast_in_dim3A : vector<256x1xf32> to vector<256xf32>
    %sub3A_53 = arith.subf %squeeze3A, %squeeze3A_52 : vector<256xf32>
    %exp3A_54 = math.exp %sub3A_53 : vector<256xf32>
    %sub3A_55 = arith.subf %reduce_sum3A_21, %exp3A_54 : vector<256xf32>
    %eq3A_56 = arith.constant 0.000000e+00 : f32
    %eq3A_57 = vector.broadcast %eq3A_56 : f32 to vector<256xf32>
    %eq3A_58 = arith.cmpf oeq, %sub3A_55, %eq3A_57 : vector<256xf32>
    %eq3A_59 = arith.constant 0.000000e+00 : f32
    %eq3A_60 = vector.broadcast %eq3A_59 : f32 to vector<256xf32>
    %eq3A_61 = arith.cmpf oeq, %reduce_sum3A_46, %eq3A_60 : vector<256xf32>
    %and3A = arith.andi %eq3A_58, %eq3A_61 : vector<256xi1>
    %add3A = arith.addf %reduce_sum3A_44, %sub3A_55 : vector<256xf32>
    %select_n3A_62 = arith.select %and3A, %exp3A_54, %add3A : vector<256xi1>, vector<256xf32>
    %log3A = math.log %sub3A_41 : vector<256xf32>
    %log3A_63 = math.log %select_n3A_62 : vector<256xf32>
    %sub3A_64 = arith.subf %log3A, %log3A_63 : vector<256xf32>
    %reduce_sum3A_65 = vector.shape_cast %sub3A_64 : vector<256xf32> to vector<1x256xf32>
    %reduce_sum3A_66 = arith.constant dense<0.000000e+00> : vector<1xf32>
    %reduce_sum3A_67 = vector.multi_reduction <add>, %reduce_sum3A_65, %reduce_sum3A_66 [1] : vector<1x256xf32> to vector<1xf32>
    %reduce_sum3A_68 = vector.shape_cast %reduce_sum3A_67 : vector<1xf32> to vector<1x1xf32>
    %reduce_sum3A_69 = vector.extract %reduce_sum3A_68[0, 0] : f32 from vector<1x1xf32>
    %eq3A_70 = arith.constant 0 : i32
    %eq3A_71 = arith.cmpi eq, %arg0, %eq3A_70 : i32
    %convert_element_type3A_72 = arith.extui %eq3A_71 : i1 to i32
    %cond3A = arith.constant 0 : i32
    %cond3A_73 = arith.cmpi ne, %convert_element_type3A_72, %cond3A : i32
    scf.if %cond3A_73 {
      %swap3A_80 = arith.constant 0.000000e+00 : f32
      %swap3A_81 = arith.constant 0 : index
      %swap3A_82 = arith.constant 0 : index
      %swap3A_83 = memref.load %arg7[%swap3A_81, %swap3A_82] : memref<1x1xf32, #tpu.memory_space<smem>>
      memref.store %swap3A_80, %arg7[%swap3A_81, %swap3A_82] : memref<1x1xf32, #tpu.memory_space<smem>>
    } else {
    }
    %get3A_74 = arith.constant 0 : index
    %get3A_75 = arith.constant 0 : index
    %get3A_76 = memref.load %arg7[%get3A_74, %get3A_75] : memref<1x1xf32, #tpu.memory_space<smem>>
    %add3A_77 = arith.addf %get3A_76, %reduce_sum3A_69 : f32
    %swap3A = arith.constant 0 : index
    %swap3A_78 = arith.constant 0 : index
    %swap3A_79 = memref.load %arg7[%swap3A, %swap3A_78] : memref<1x1xf32, #tpu.memory_space<smem>>
    memref.store %add3A_77, %arg7[%swap3A, %swap3A_78] : memref<1x1xf32, #tpu.memory_space<smem>>
    return
  }
  func.func @transform_0(%arg0: i32) -> (i32, i32, i32) {
    %jit3A = arith.constant 16 : i32
    %div3A = arith.divsi %arg0, %jit3A : i32
    %sign3A = arith.constant 0 : i32
    %sign3A_0 = arith.cmpi sgt, %arg0, %sign3A : i32
    %sign3A_1 = arith.extui %sign3A_0 : i1 to i32
    %sign3A_2 = arith.constant 0 : i32
    %sign3A_3 = arith.cmpi slt, %arg0, %sign3A_2 : i32
    %sign3A_4 = arith.extui %sign3A_3 : i1 to i32
    %sign3A_5 = arith.subi %sign3A_1, %sign3A_4 : i32
    %sign3A_6 = arith.constant 0 : i32
    %sign3A_7 = arith.cmpi sgt, %jit3A, %sign3A_6 : i32
    %sign3A_8 = arith.extui %sign3A_7 : i1 to i32
    %sign3A_9 = arith.constant 0 : i32
    %sign3A_10 = arith.cmpi slt, %jit3A, %sign3A_9 : i32
    %sign3A_11 = arith.extui %sign3A_10 : i1 to i32
    %sign3A_12 = arith.subi %sign3A_8, %sign3A_11 : i32
    %ne3A = arith.cmpi ne, %sign3A_5, %sign3A_12 : i32
    %rem3A = arith.remsi %arg0, %jit3A : i32
    %ne3A_13 = arith.constant 0 : i32
    %ne3A_14 = arith.cmpi ne, %rem3A, %ne3A_13 : i32
    %and3A = arith.andi %ne3A, %ne3A_14 : i1
    %sub3A = arith.constant 1 : i32
    %sub3A_15 = arith.subi %div3A, %sub3A : i32
    %select_n3A = arith.select %and3A, %sub3A_15, %div3A : i32
    %jit3A_16 = arith.constant 16 : i32
    %eq3A = arith.constant 0 : i32
    %eq3A_17 = arith.cmpi eq, %jit3A_16, %eq3A : i32
    %jit3A_18 = arith.constant 1 : i32
    %select_n3A_19 = arith.select %eq3A_17, %jit3A_18, %jit3A_16 : i32
    %rem3A_20 = arith.remsi %arg0, %select_n3A_19 : i32
    %ne3A_21 = arith.constant 0 : i32
    %ne3A_22 = arith.cmpi ne, %rem3A_20, %ne3A_21 : i32
    %lt3A = arith.constant 0 : i32
    %lt3A_23 = arith.cmpi slt, %rem3A_20, %lt3A : i32
    %lt3A_24 = arith.constant 0 : i32
    %lt3A_25 = arith.cmpi slt, %select_n3A_19, %lt3A_24 : i32
    %ne3A_26 = arith.xori %lt3A_23, %lt3A_25 : i1
    %and3A_27 = arith.andi %ne3A_26, %ne3A_22 : i1
    %add3A = arith.addi %rem3A_20, %select_n3A_19 : i32
    %select_n3A_28 = arith.select %and3A_27, %add3A, %rem3A_20 : i32
    %c0_i32 = arith.constant 0 : i32
    %c0_i32_29 = arith.constant 0 : i32
    return %select_n3A, %select_n3A_28, %c0_i32 : i32, i32, i32
  }
  func.func @transform_1(%arg0: i32) -> (i32, i32, i32) {
    %jit3A = arith.constant 16 : i32
    %div3A = arith.divsi %arg0, %jit3A : i32
    %sign3A = arith.constant 0 : i32
    %sign3A_0 = arith.cmpi sgt, %arg0, %sign3A : i32
    %sign3A_1 = arith.extui %sign3A_0 : i1 to i32
    %sign3A_2 = arith.constant 0 : i32
    %sign3A_3 = arith.cmpi slt, %arg0, %sign3A_2 : i32
    %sign3A_4 = arith.extui %sign3A_3 : i1 to i32
    %sign3A_5 = arith.subi %sign3A_1, %sign3A_4 : i32
    %sign3A_6 = arith.constant 0 : i32
    %sign3A_7 = arith.cmpi sgt, %jit3A, %sign3A_6 : i32
    %sign3A_8 = arith.extui %sign3A_7 : i1 to i32
    %sign3A_9 = arith.constant 0 : i32
    %sign3A_10 = arith.cmpi slt, %jit3A, %sign3A_9 : i32
    %sign3A_11 = arith.extui %sign3A_10 : i1 to i32
    %sign3A_12 = arith.subi %sign3A_8, %sign3A_11 : i32
    %ne3A = arith.cmpi ne, %sign3A_5, %sign3A_12 : i32
    %rem3A = arith.remsi %arg0, %jit3A : i32
    %ne3A_13 = arith.constant 0 : i32
    %ne3A_14 = arith.cmpi ne, %rem3A, %ne3A_13 : i32
    %and3A = arith.andi %ne3A, %ne3A_14 : i1
    %sub3A = arith.constant 1 : i32
    %sub3A_15 = arith.subi %div3A, %sub3A : i32
    %select_n3A = arith.select %and3A, %sub3A_15, %div3A : i32
    %c0_i32 = arith.constant 0 : i32
    %c0_i32_16 = arith.constant 0 : i32
    %c0_i32_17 = arith.constant 0 : i32
    return %select_n3A, %c0_i32, %c0_i32_16 : i32, i32, i32
  }
  func.func @transform_2(%arg0: i32) -> (i32, i32, i32) {
    %c0_i32 = arith.constant 0 : i32
    %c0_i32_0 = arith.constant 0 : i32
    %c0_i32_1 = arith.constant 0 : i32
    return %arg0, %c0_i32, %c0_i32_0 : i32, i32, i32
  }
  func.func @transform_3(%arg0: i32) -> (i32, i32, i32) {
    %c0_i32 = arith.constant 0 : i32
    %c0_i32_0 = arith.constant 0 : i32
    %c0_i32_1 = arith.constant 0 : i32
    return %arg0, %c0_i32, %c0_i32_0 : i32, i32, i32
  }
  func.func @transform_4(%arg0: i32) -> (i32, i32, i32) {
    %jit3A = arith.constant 16 : i32
    %div3A = arith.divsi %arg0, %jit3A : i32
    %sign3A = arith.constant 0 : i32
    %sign3A_0 = arith.cmpi sgt, %arg0, %sign3A : i32
    %sign3A_1 = arith.extui %sign3A_0 : i1 to i32
    %sign3A_2 = arith.constant 0 : i32
    %sign3A_3 = arith.cmpi slt, %arg0, %sign3A_2 : i32
    %sign3A_4 = arith.extui %sign3A_3 : i1 to i32
    %sign3A_5 = arith.subi %sign3A_1, %sign3A_4 : i32
    %sign3A_6 = arith.constant 0 : i32
    %sign3A_7 = arith.cmpi sgt, %jit3A, %sign3A_6 : i32
    %sign3A_8 = arith.extui %sign3A_7 : i1 to i32
    %sign3A_9 = arith.constant 0 : i32
    %sign3A_10 = arith.cmpi slt, %jit3A, %sign3A_9 : i32
    %sign3A_11 = arith.extui %sign3A_10 : i1 to i32
    %sign3A_12 = arith.subi %sign3A_8, %sign3A_11 : i32
    %ne3A = arith.cmpi ne, %sign3A_5, %sign3A_12 : i32
    %rem3A = arith.remsi %arg0, %jit3A : i32
    %ne3A_13 = arith.constant 0 : i32
    %ne3A_14 = arith.cmpi ne, %rem3A, %ne3A_13 : i32
    %and3A = arith.andi %ne3A, %ne3A_14 : i1
    %sub3A = arith.constant 1 : i32
    %sub3A_15 = arith.subi %div3A, %sub3A : i32
    %select_n3A = arith.select %and3A, %sub3A_15, %div3A : i32
    %jit3A_16 = arith.constant 16 : i32
    %eq3A = arith.constant 0 : i32
    %eq3A_17 = arith.cmpi eq, %jit3A_16, %eq3A : i32
    %jit3A_18 = arith.constant 1 : i32
    %select_n3A_19 = arith.select %eq3A_17, %jit3A_18, %jit3A_16 : i32
    %rem3A_20 = arith.remsi %arg0, %select_n3A_19 : i32
    %ne3A_21 = arith.constant 0 : i32
    %ne3A_22 = arith.cmpi ne, %rem3A_20, %ne3A_21 : i32
    %lt3A = arith.constant 0 : i32
    %lt3A_23 = arith.cmpi slt, %rem3A_20, %lt3A : i32
    %lt3A_24 = arith.constant 0 : i32
    %lt3A_25 = arith.cmpi slt, %select_n3A_19, %lt3A_24 : i32
    %ne3A_26 = arith.xori %lt3A_23, %lt3A_25 : i1
    %and3A_27 = arith.andi %ne3A_26, %ne3A_22 : i1
    %add3A = arith.addi %rem3A_20, %select_n3A_19 : i32
    %select_n3A_28 = arith.select %and3A_27, %add3A, %rem3A_20 : i32
    %c0_i32 = arith.constant 0 : i32
    %c0_i32_29 = arith.constant 0 : i32
    return %select_n3A, %select_n3A_28, %c0_i32 : i32, i32, i32
  }
  func.func @transform_5(%arg0: i32) -> (i32, i32, i32) {
    %c0_i32 = arith.constant 0 : i32
    %c0_i32_0 = arith.constant 0 : i32
    %c0_i32_1 = arith.constant 0 : i32
    return %arg0, %c0_i32, %c0_i32_0 : i32, i32, i32
  }
  func.func @transform_6(%arg0: i32) -> (i32, i32) {
    %c0_i32 = arith.constant 0 : i32
    %c0_i32_0 = arith.constant 0 : i32
    %c0_i32_1 = arith.constant 0 : i32
    return %c0_i32, %c0_i32_0 : i32, i32
  }
}

</mosaic_0001>

<sc_bundles>
// kernel: gather_offload_async_start
scs
__scs_entry_jumppad:
0x0: {  	(pc) =	sbr.rel $0x88, $3  }
0x1: {  	(tag) =	ssettag $0x0;
	lr =	simm.s32 $0x1  }
0x2: {  	[smem:$0x3F9D] =	sst lr;
	_ =	strace $0xD0000000  }
0x3: {  	_ = 	snop  }
0x4: {  	_ = 	snop  }
0x5: {  	_ = 	snop  }
0x6: {  	_ = 	snop  }
0x7: {  	_ = 	snop  }
__scs_overlays_trampoline_lowered:
0x8: {  	[smem:$0x3FAC] =	sst s0  }
0x9: {  	[smem:$0x3FAD] =	sst s1  }
0xa: {  	[smem:$0x3FAE] =	sst s2  }
0xb: {  	[smem:$0x3FAF] =	sst s3  }
0xc: {  	[smem:$0x3FB0] =	sst s4  }
0xd: {  	[smem:$0x3FB1] =	sst s5  }
0xe: {  	[smem:$0x3FB2] =	sst s6  }
0xf: {  	[smem:$0x3FB3] =	sst s7  }
0x10: {  	[smem:$0x3FB4] =	sst s8  }
0x11: {  	[smem:$0x3FB5] =	sst s9;
	s0 =	simm.s32 @!p0 $0x0  }
0x12: {  	s1 =	sld [smem:$0x3F9B];
	s0 =	simm.s32 @p0 $0x1  }
0x13: {  	[smem:$0x3FB6] =	sst s0;
	s0 =	simm.s32 @!p1 $0x0  }
0x14: {  	s2 =	sld [smem:$0x3F9A];
	s0 =	simm.s32 @p1 $0x1  }
0x15: {  	[smem:$0x3FB7] =	sst s0;
	s0 =	simm.s32 @!p2 $0x0  }
0x16: {  	s3 =	sld [smem:$0x3FDB];
	s0 =	simm.s32 @p2 $0x1  }
0x17: {  	s4 =	simm.s32 $0x1BF5;
	[smem:$0x3FB9] =	sst s0  }
0x18: {  	s0 =	sld [smem:$0x3F9C];
	_ =	swait.ge [sflag:s4], $0x0  }
0x19: {  	s7 =	sld [smem:$0x3F9D]  }
0x1a: {  	s8 =	sadd.s32 $0xFFFFE003, lr  }
0x1b: {  	s9 =	sadd.s32 $0xFFFFFEF7, lr;
	s5 =	simm.s32 $0xFFFFFFFF;
	p2 =	slt.u32 s8, $0xFFFFF086  }
0x1c: {  	p1 =	slt.u32 s9, $0xF7A;
	s5 =	simm.s32 @!p2 $0x0  }
0x1d: {  	s5 =	simm.s32 @p1 $0x1;
	p0 =	seq.s32 s7, s2  }
0x1e: {  	s7 =	smul.u32 @!p0 $0xF7A, s2;
	p2 =	seq.s32 @!p0 s5, $0x0  }
0x1f: {  	s9 =	smul.u32 $0xF7A, s1;
	s8 =	simm.s32 @!p0 $0x1BF5;
	p2 =	por !p2, p0  }
0x20: {  	[sflag:s8] =	ssyncset.s32 @!p0 $0xFFFFF086;
	s6 =	sadd.s32 @!p0 s3, s7;
	s7 =	simm.s32 @!p0 $0x108  }
0x21: {  	s3 =	sadd.s32 s3, s9;
	s6 =	sadd.s32 @!p0 $0x88, s6;
	s7 =	simm.s32 @p2 $0x1082  }
0x22: {  	[simem:s7], [sflag:s8] =	dma.local @!p0 [hbm:s6], $0xF7A  }
0x23: {  	s9 =	sor.u32 $0xD0000000, s2;
	s6 =	simm.s32 $0x108;
	_ =	swait.ge @!p0 [sflag:s8], $0x0  }
0x24: {  	s3 =	sadd.s32 $0x88, s3;
	s6 =	simm.s32 @!p1 $0x1082;
	[sflag:s4] =	ssyncset.s32 $0xFFFFF086  }
0x25: {  	[simem:s6], [sflag:s4] =	dma.local [hbm:s3], $0xF7A  }
0x26: {  	[smem:$0x3F9D] =	sst s1;
	(tag) =	ssettag s2;
	_ =	strace s9  }
0x27: {  	s1 =	sld [smem:$0x3FAD]  }
0x28: {  	s2 =	sld [smem:$0x3FAE]  }
0x29: {  	s4 =	sld [smem:$0x3FB0]  }
0x2a: {  	p0 =	seq.s32 s5, $0x0;
	s5 =	sld [smem:$0x3FB1]  }
0x2b: {  	s6 =	sld [smem:$0x3FB2]  }
0x2c: {  	s7 =	sld [smem:$0x3FB3]  }
0x2d: {  	s3 =	simm.s32 $0x108;
	s8 =	sld [smem:$0x3FB4]  }
0x2e: {  	s3 =	simm.s32 @!p0 $0x1082;
	s9 =	sld [smem:$0x3FB5]  }
0x2f: {  	lr =	sadd.s32 s0, s3;
	s0 =	sld [smem:$0x3FAC]  }
0x30: {  	s3 =	sld [smem:$0x3FAF]  }
0x31: {  	[smem:$0x3FB8] =	sst s10  }
0x32: {  	s10 =	sld [smem:$0x3FB6];
	_ =	sdelay $0x3  }
0x33: {  	p0 =	seq.s32 s10, $0x1;
	s10 =	sld [smem:$0x3FB8];
	_ =	sdelay $0x3  }
0x34: {  	[smem:$0x3FB8] =	sst s10  }
0x35: {  	s10 =	sld [smem:$0x3FB7];
	_ =	sdelay $0x3  }
0x36: {  	p1 =	seq.s32 s10, $0x1;
	s10 =	sld [smem:$0x3FB8];
	_ =	sdelay $0x3  }
0x37: {  	[smem:$0x3FB8] =	sst s10  }
0x38: {  	s10 =	sld [smem:$0x3FB9]  }
0x39: {  	_ = 	snop;
	(pc) =	sbr.ind lr, $3  }
0x3a: {  	_ = 	snop  }
0x3b: {  	_ = 	snop  }
0x3c: {  	p2 =	seq.s32 s10, $0x1;
	s10 =	sld [smem:$0x3FB8]  }
0x3d: {  	_ =	shalt  }
0x3e: {  	_ =	shalt  }
0x3f: {  	_ =	shalt  }
0x40: {  	_ =	shalt  }
0x41: {  	_ =	shalt  }
0x42: {  	_ =	shalt  }
0x43: {  	_ =	shalt  }
0x44: {  	_ =	shalt  }
0x45: {  	_ =	shalt  }
0x46: {  	_ =	shalt  }
0x47: {  	_ =	shalt  }
0x48: {  	_ =	shalt  }
0x49: {  	_ =	shalt  }
0x4a: {  	_ =	shalt  }
0x4b: {  	_ =	shalt  }
0x4c: {  	_ =	shalt  }
0x4d: {  	_ =	shalt  }
0x4e: {  	_ =	shalt  }
0x4f: {  	_ =	shalt  }
0x50: {  	_ =	shalt  }
0x51: {  	_ =	shalt  }
0x52: {  	_ =	shalt  }
0x53: {  	_ =	shalt  }
0x54: {  	_ =	shalt  }
0x55: {  	_ =	shalt  }
0x56: {  	_ =	shalt  }
0x57: {  	_ =	shalt  }
0x58: {  	_ =	shalt  }
0x59: {  	_ =	shalt  }
0x5a: {  	_ =	shalt  }
0x5b: {  	_ =	shalt  }
0x5c: {  	_ =	shalt  }
0x5d: {  	_ =	shalt  }
0x5e: {  	_ =	shalt  }
0x5f: {  	_ =	shalt  }
0x60: {  	_ =	shalt  }
0x61: {  	_ =	shalt  }
0x62: {  	_ =	shalt  }
0x63: {  	_ =	shalt  }
0x64: {  	_ =	shalt  }
0x65: {  	_ =	shalt  }
0x66: {  	_ =	shalt  }
0x67: {  	_ =	shalt  }
0x68: {  	_ =	shalt  }
0x69: {  	_ =	shalt  }
0x6a: {  	_ =	shalt  }
0x6b: {  	_ =	shalt  }
0x6c: {  	_ =	shalt  }
0x6d: {  	_ =	shalt  }
0x6e: {  	_ =	shalt  }
0x6f: {  	_ =	shalt  }
0x70: {  	_ =	shalt  }
0x71: {  	_ =	shalt  }
0x72: {  	_ =	shalt  }
0x73: {  	_ =	shalt  }
0x74: {  	_ =	shalt  }
0x75: {  	_ =	shalt  }
0x76: {  	_ =	shalt  }
0x77: {  	_ =	shalt  }
0x78: {  	_ =	shalt  }
0x79: {  	_ =	shalt  }
0x7a: {  	_ =	shalt  }
0x7b: {  	_ =	shalt  }
0x7c: {  	_ =	shalt  }
0x7d: {  	_ =	shalt  }
0x7e: {  	_ =	shalt  }
0x7f: {  	_ =	shalt  }
0x80: {  	_ =	shalt  }
0x81: {  	_ =	shalt  }
0x82: {  	_ =	shalt  }
0x83: {  	_ =	shalt  }
0x84: {  	_ =	shalt  }
0x85: {  	_ =	shalt  }
0x86: {  	_ =	shalt  }
0x87: {  	_ =	shalt  }
.Lfunc_end0:
.L_simem_size_0:
called_computation_lowered:
.L_overlay_start_0:
0x88: {  	s2 =	sld [smem:$0x3FD9]  }
0x89: {  	s3 =	sld [smem:$0x3FFE];
	_ =	sdelay $0x1  }
0x8a: {  	s1 =	srdreg.scid  }
0x8b: {  	s0 =	sand.u32 $0x1, s1  }
0x8c: {  	s16 =	sshll.u32 s0, $0xA;
	s2 =	sadd.s32 s3, s2  }
0x8d: {  	s2 =	sadd.s32 s2, s16  }
0x8e: {  	[smem:$0x3FC4] =	sst s2  }
0x8f: {  	_ = 	snop  }
0x90: {  	(tm) =	ssettm $0x1  }
0x91: {  	s17 =	sld [smem:$0x3FFB];
	_ =	sdelay $0x3  }
0x92: {  	_ =	strace s17  }
0x93: {  	s2 =	sld [smem:$0x3FFC];
	_ =	sdelay $0x3  }
0x94: {  	_ =	strace s2  }
0x95: {  	s2 =	sld [smem:$0x3FFD];
	_ =	sdelay $0x3  }
0x96: {  	_ =	strace s2  }
0x97: {  	_ =	strace $0x8FFFFFFF  }
0x98: {  	s18 =	sld [smem:$0x3FDB];
	_ =	sdelay $0x1  }
0x99: {  	s19 =	simm.s32 $_scs_section_size  }
0x9a: {  	s4 =	simm.s32 $_size__tile_overlayer_lowered;
	s5 =	simm.s32 $_tile_overlayer_lowered  }
0x9b: {  	s22 =	simm.s32 $0x1BFF;
	s21 =	sshll.u32 s5, $0x1;
	s2 =	sadd.s32 s19, s18  }
0x9c: {  	s6 =	simm.s32 $0x0;
	s20 =	sshll.u32 s4, $0x1;
	s4 =	sadd.s32 s21, s2  }
0x9d: {  	[timem:s6], [sflag:s22] =	dma.local [hbm:s4], s20  }
0x9e: {  	_ =	swait.ge [sflag:s22], s20  }
0x9f: {  	s3 =	ssub.s32 $0x0, s20;
	[sflag:s22] =	ssyncset.done $0x0  }
0xa0: {  	[sflag:s22] =	ssyncadd.s32 s3;
	_ =	sdelay $0x1  }
0xa1: {  	s23 =	simm.s32 $0x1B8B  }
0xa2: {  	_ =	swait.ge [sflag:s23], $0x1  }
0xa3: {  	[sflag:s23] =	ssyncset.done $0x0  }
0xa4: {  	s25 =	simm.s32 $0x1B8E;
	s24 =	sld [smem:$0x3FFE];
	[sflag:s23] =	ssyncadd.s32 $0xFFFFFFFF  }
0xa5: {  	s26 =	simm.s32 $execute0_lowered;
	[smem:$0x3FD2] =	sst s25  }
0xa6: {  	s4 =	sshll.u32 s26, $0x1;
	_ =	strace $0x80000046;
	[dreg:$0x1] =	wrdreg $0xFFFFFFFF  }
0xa7: {  	s28 =	simm.s32 $_size_execute0_lowered;
	s2 =	sadd.s32 s2, s4;
	[dreg:$0x0] =	wrdreg $0x0  }
0xa8: {  	s4 =	sshll.u32 s28, $0x1;
	[dreg:$0x2] =	wrdreg s2  }
0xa9: {  	[dreg:$0x3] =	wrdreg s4  }
0xaa: {  	[dreg:$0x4] =	wrdreg $0xC0  }
0xab: {  	_ =	task [dreg:s6], $0x5FFFF  }
0xac: {  	[dreg:$0x1] =	wrdreg $0xFFFFFFFF  }
0xad: {  	[dreg:$0x0] =	wrdreg $0x60  }
0xae: {  	[dreg:$0x2] =	wrdreg s24  }
0xaf: {  	[dreg:$0x3] =	wrdreg $0x9  }
0xb0: {  	_ =	task.clear_ibuf [dreg:s6], $0x4FFFF;
	_ =	strace $0x90000046  }
0xb1: {  	s29 =	simm.s32 $0x9;
	_ =	strace $0x80000048  }
0xb2: {  	_ =	swait.ge [sflag:s29], $0x1  }
0xb3: {  	[sflag:s29] =	ssyncadd.s32 $0xFFFFFFFF  }
0xb4: {  	_ =	strace $0x90000048  }
0xb5: {  	_ =	sfence  }
0xb6: {  	s30 =	sld [smem:$0x0];
	_ =	sdelay $0x2  }
0xb7: {  	s31 =	sshll.u32 s1, $0xD;
	s1 =	sshrl.u32 s1, $0x2  }
0xb8: {  	s3 =	sand.u32 $0x4000, s31;
	s1 =	sadd.s32 s1, s30  }
0xb9: {  	s0 =	sor.u32 s3, s0;
	s1 =	sshll.u32 s1, $0x11  }
0xba: {  	s0 =	sor.u32 s1, s0  }
0xbb: {  	s0 =	sadd.s32 $0x8F2B, s0  }
0xbc: {  	[sflag:s0] =	ssyncadd.remote.s32 $0x1  }
0xbd: {  	_ =	sfence.sel $0xFFFF  }
0xbe: {  	[dreg:$0x0] =	wrdreg $0xFFFFFFFF;
	(pc) =	sbr.abs _section_cstart, $3  }
0xbf: {  	[dreg:$0x1] =	wrdreg $0xFFFFFFFF  }
0xc0: {  	_ =	task.clear_ibuf [dreg:s6], $0x2FFFF;
	_ =	strace $0x9FFFFFFF  }
0xc1: {  	(tm) =	ssettm $0x7FFFFFFF  }
tec
execute0_lowered:
.L_overlay_start_1:
0x0: {  	(tag) =	ssettag $0x1  }
0x1: {  	s1 =	srdreg.scid  }
0x2: {  	s0 =	stileid.u32;
	s6 =	rddreg [dreg:$0x0]  }
0x3: {  	s5 =	simm.s32 $0x2;
	s10 =	simm.s32 $0x3;
	s1 =	sshll.u32 s1, $0x7  }
0x4: {  	s12 =	simm.s32 $0x0;
	s2 =	sshll.u32 s0, $0x8;
	s3 =	sand.u32 $0x80, s1  }
0x5: {  	s11 =	simm.s32 $0x0;
	s1 =	rddreg [dreg:$0x1];
	s2 =	sor.u32 s2, s3  }
0x6: {  	_ =	strace $0x80000047;
	s3 =	sadd.s32 $0xC00, s6;
	s4 =	sshrl.u32 s2, $0x3  }
0x7: {  	s7 =	ssub.s32 $0x1000, s2;
	s8 =	sadd.s32 s4, s6;
	s4 =	simm.s32 $0x1  }
.Ltmp0:
0x8: {  	s9 =	sand.u32 $0xF80, s7;
	s7 =	sshrl.u32 s7, $0xC;
	(pc) =	sbr.rel .LBB2_1-.Ltmp0, $4  }
0x9: {  	s6 =	sadd.s32 $0x404C00, s6;
	p0 =	sne.s32 s9, $0x0;
	s9 =	simm.s32 $0x1  }
0xa: {  	[sflag:s4] =	ssyncpa.u1 $0x0;
	s8 =	sadd.s32 $0xA00, s8;
	s9 =	simm.s32 @!p0 $0x0  }
0xb: {  	[sflag:s5] =	ssyncpa.u1 $0x0;
	p0 =	por $0x0, $0x0;
	s7 =	sadd.s32 s9, s7  }
0xc: {  	vm0 =	vmmov $0xffff;
	[sflag:s10] =	ssyncpa.u1 $0x0;
	s10 =	simm.s32 $0x0;
	s9 =	sadd.s32 $0x1, s7  }
.LBB2_4:
0xd: {  	vm1 =	veq.s32 v0, $0x80000000;
	v1 =	vand.u32 $0xFFF, v0  }
0xe: {  	v63 =	vshll.u32 v0, $0x1;
	v1 =	vsel vm1, $0xFFFFFFFF, v1  }
0xf: {  	v0 =	vand.u32 $0x3FFE000, v63;
	v2 =	vshll.u32 v1, $0x1  }
0x10: {  	v0 =	vsel vm1, $0xFFFFE000, v0;
	v2 =	vand.u32 $0xFFFFFF00, v2  }
0x11: {  	v1 =	vand.u32 $0x7F, v1;
	v0 =	vadd.s32 v0, v2  }
0x12: {  	v0 =	vor.u32 v1, v0;
	_ =	sdelay $0x2  }
0x13: {  	(ifvalue) =	ssetifvalue $0x7FFFFFFF;
	v1 =	vor.u32 $0x80, v0  }
0x14: {  	s14 =	sadd.s32 s15, s14;
	(ifvalue) =	ssetifvalue $0x7FFFFFFF  }
0x15: {  	[tilespmem:s14], [sflag:$0x1] =	stream.indirect_vreg.gather [hbm4b:s3+s10], $0x1, v0, vm0, $0x4038;
	[tilespmem:$0x300] =	vst v63  }
0x16: {  	(ifvalue) =	ssetifvalue $0x7FFFFFFF  }
0x17: {  	s30 =	sshll.u32 s12, $0x1;
	s14 =	sadd.s32 $0x80, s14;
	(ifvalue) =	ssetifvalue $0x7FFFFFFF  }
0x18: {  	[tilespmem:s14], [sflag:$0x1] =	stream.indirect_vreg.gather [hbm4b:s3+s10], $0x1, v1, vm0, $0x4038;
	[tilespmem:$0x300] =	vst v63  }
0x19: {  	s31 =	sand.u32 $0x78, s12;
	s14 =	sand.u32 $0x7FFFFF00, s30  }
0x1a: {  	_ =	swait.ge [sflag:s4], $0x100;
	s12 =	sor.u32 s31, s14  }
0x1b: {  	[sflag:s4] =	ssyncset.done $0x0;
	s12 =	sshrl.u32 s12, $0x3  }
0x1c: {  	[sflag:s4] =	ssyncadd.s32 $0xFFFFFF00;
	s12 =	sadd.s32 s6, s12  }
0x1d: {  	[hbm:s12] =	stream.linear.scatter [tilespmem:s13], [sflag:$0x3], $0x100, $0x38;
	[tilespmem:$0x300] =	vst v63  }
.LBB2_5:
0x1e: {  	p2 =	sne.s32 s11, s9  }
.Ltmp1:
0x1f: {  	p1 =	slt.u32 s11, $0x2;
	(pc) =	sbr.rel @!p2 .LBB2_6-.Ltmp1, $4  }
0x20: {  	s12 =	simm.s32 @!p1 $0x3  }
0x21: {  	_ =	swait.ge @!p1 [sflag:s12], $0x100  }
0x22: {  	s13 =	sadd.s32 $0x1, s11;
	p0 =	por !p0, !p0;
	[sflag:s12] =	ssyncset.done @!p1 $0x0  }
0x23: {  	s11 =	smov.u32 s13;
	[sflag:s12] =	ssyncadd.s32 @!p1 $0xFFFFFF00;
	s12 =	smov.u32 s2  }
.LBB2_1:
0x24: {  	p1 =	sge.u32 s11, s7  }
0x25: {  	s13 =	sxor.u32 @!p1 $0xFFFFFFFF, s11  }
0x26: {  	s13 =	sshll.u32 @!p1 s13, $0x7  }
0x27: {  	s31 =	sadd.s32 $0xFFFFFFFF, s11;
	s14 =	simm.s32 @!p1 $0x0;
	s13 =	sand.u32 @!p1 $0x80, s13  }
0x28: {  	[tilespmem:s13], [sflag:$0x2] =	stream.linear.gather @!p1 [hbm4b:s8+s14], $0x80, $0x38;
	[tilespmem:$0x300] =	vst v63  }
0x29: {  	p1 =	sge.u32 s31, s7  }
.Ltmp2:
0x2a: {  	_ = 	snop;
	(pc) =	sbr.rel @p1 .LBB2_5-.Ltmp2, $1  }
0x2b: {  	_ =	sdelay $0x3  }
0x2c: {  	s13 =	simm.s32 $0x1;
	_ =	swait.ge [sflag:s5], $0x80  }
0x2d: {  	s31 =	sand.u32 $0x1, s11;
	s15 =	simm.s32 $0x0;
	s13 =	simm.s32 @!p0 $0x0  }
0x2e: {  	[sflag:s5] =	ssyncset.done $0x0;
	s14 =	sshll.u32 s13, $0x8;
	s16 =	sshll.u32 s13, $0x7  }
0x2f: {  	[sflag:s5] =	ssyncadd.s32 $0xFFFFFF80;
	s13 =	sshll.u32 s31, $0x8;
	s17 =	sadd.s32 $0x0, s16  }
0x30: {  	s14 =	sadd.s32 $0x100, s14;
	s13 =	sadd.s32 $0x100, s13;
	v0 =	vld.msk [tilespmem:s17+$0x0 ss:$0x1], $0xffff;
	s17 =	simm.s32 $0x40  }
.LBB2_3:
0x31: {  	p1 =	sne.s32 s17, $0x1C0;
	_ =	sdelay $0x4  }
0x32: {  	vm1 =	veq.s32 v0, $0x80000000;
	v1 =	vand.u32 $0xFFF, v0  }
0x33: {  	v0 =	vshll.u32 v0, $0x1;
	v1 =	vsel vm1, $0xFFFFFFFF, v1  }
0x34: {  	v0 =	vand.u32 $0x3FFE000, v0;
	v2 =	vshll.u32 v1, $0x1  }
0x35: {  	v0 =	vsel vm1, $0xFFFFE000, v0;
	v2 =	vand.u32 $0xFFFFFF00, v2  }
0x36: {  	v1 =	vand.u32 $0x7F, v1;
	v0 =	vadd.s32 v0, v2  }
0x37: {  	v0 =	vor.u32 v1, v0;
	_ =	sdelay $0x2  }
0x38: {  	v1 =	vor.u32 $0x80, v0;
	(ifvalue) =	ssetifvalue $0x7FFFFFFF  }
0x39: {  	s18 =	sadd.s32 s15, s14;
	(ifvalue) =	ssetifvalue $0x7FFFFFFF  }
0x3a: {  	[tilespmem:s18], [sflag:$0x1] =	stream.indirect_vreg.gather [hbm4b:s3+s10], $0x1, v0, vm0, $0x4038;
	[tilespmem:$0x300] =	vst v63  }
.Ltmp3:
0x3b: {  	_ = 	snop;
	(pc) =	sbr.rel @p1 .LBB2_3-.Ltmp3, $4  }
0x3c: {  	s15 =	sshra.s32 s17, $0x2;
	(ifvalue) =	ssetifvalue $0x7FFFFFFF  }
0x3d: {  	s19 =	sadd.s32 s15, s16;
	s18 =	sadd.s32 $0x80, s18;
	(ifvalue) =	ssetifvalue $0x7FFFFFFF  }
0x3e: {  	[tilespmem:s18], [sflag:$0x1] =	stream.indirect_vreg.gather [hbm4b:s3+s10], $0x1, v1, vm0, $0x4038;
	[tilespmem:$0x300] =	vst v63  }
0x3f: {  	s17 =	sadd.s32 $0x40, s17;
	v0 =	vld.msk [tilespmem:s19+$0x0 ss:$0x1], $0xffff  }
.Ltmp4:
0x40: {  	_ = 	snop;
	(pc) =	sbr.rel .LBB2_4-.Ltmp4, $1  }
0x41: {  	_ =	sdelay $0x3  }
.LBB2_6:
0x42: {  	_ =	sfence.sel $0x180000  }
0x43: {  	s2 =	simm.s32 $0x2;
	[bflag:$0x0] =	sbarrier.arrive $0xFFFF  }
0x44: {  	s30 =	simm.s32 $0x3;
	[sflag:s2] =	ssyncpa.u1 $0x1  }
0x45: {  	s31 =	simm.s32 $0x1;
	[sflag:s30] =	ssyncpa.u1 $0x1  }
0x46: {  	[sflag:s31] =	ssyncpa.u1 $0x1  }
0x47: {  	p0 =	sne.s32 s0, $0x0;
	_ =	strace $0x90000047  }
0x48: {  	s0 =	sadd.s32 @!p0 $0x100000, s1;
	[bflag:$0x2] =	sbarrier.arrive $0xFFFF  }
0x49: {  	[sflag:s0] =	ssyncadd.tile.s32 @!p0 $0x1;
	_ =	shalt  }
.Lfunc_end2:
_tile_overlayer_lowered:
.L_overlay_start_2:
0x4a: {  	(tag) =	ssettag $0x2  }
0x4b: {  	s0 =	rddreg [dreg:$0x0];
	s2 =	stileid.u32  }
0x4c: {  	s1 =	rddreg [dreg:$0x1];
	p0 =	sne.s32 s2, $0x0  }
0x4d: {  	s3 =	rddreg [dreg:$0x2];
	[bflag:$0x3] =	sbarrier.arrive $0xFFFF;
	s2 =	simm.s32 @!p0 $0x1C01  }
0x4e: {  	[timem:s3], [sflag:s2] =	dma.local @!p0 [hbm:s0], s1  }
0x4f: {  	s0 =	simm.s32 @!p0 $0x1  }
0x50: {  	_ =	swait.ge @!p0 [sflag:s0], s1  }
0x51: {  	s1 =	ssub.s32 @!p0 $0x0, s1;
	[sflag:s0] =	ssyncset.done @!p0 $0x0  }
0x52: {  	[sflag:s0] =	ssyncadd.s32 @!p0 s1  }
0x53: {  	[bflag:$0x3] =	sbarrier.arrive $0xFFFF  }
0x54: {  	_ =	shalt  }

</sc_bundles>
